<compile_context>
chip_gen: v7x
topology: tpu7x:2x2x1
jax: 0.10.2.dev20260603
libtpu: 0.0.44.dev20260713+nightly
codegen_flags: <defaults>
</compile_context>

<pallas_src>
import functools

import jax
import jax.numpy as jnp
from jax import lax
from jax.experimental import pallas as pl
from jax.experimental.pallas import tpu as pltpu
from jax.experimental.pallas import tpu_sc as plsc

D_MODEL = 2048
NUM_CORES = 2
NUM_SUBCORES = 16
NW = NUM_CORES * NUM_SUBCORES
BATCH = 4
SEQ = 4096
B_TOTAL = BATCH * SEQ
B_PER_W = B_TOTAL // NW
W_PER_ROW = SEQ // B_PER_W
CHUNK = 16
NCHUNK = B_PER_W // CHUNK
NBUF = 2

_mesh = plsc.VectorSubcoreMesh(core_axis_name="c", subcore_axis_name="s")


@functools.partial(
    pl.kernel,
    mesh=_mesh,
    out_type=jax.ShapeDtypeStruct((BATCH, SEQ, D_MODEL), jnp.float32),
    scratch_types=[
        pltpu.VMEM((B_PER_W,), jnp.int32),
        pltpu.VMEM((NBUF, CHUNK, D_MODEL), jnp.float32),
        pltpu.SemaphoreType.DMA,
        pltpu.SemaphoreType.DMA,
    ],
)
def _embed_gather(idx_hbm, table_hbm, out_hbm, idx_v, rows_v, sem0, sem1):
    wid = lax.axis_index("s") * NUM_CORES + lax.axis_index("c")
    row = wid // W_PER_ROW
    col = (wid % W_PER_ROW) * B_PER_W
    sems = [sem0, sem1]

    pltpu.sync_copy(idx_hbm.at[row, pl.ds(col, B_PER_W)], idx_v)

    for b in range(NBUF):
        pltpu.async_copy(
            table_hbm.at[idx_v.at[pl.ds(b * CHUNK, CHUNK)]],
            rows_v.at[b],
            sems[b],
        )

    @pl.loop(0, NCHUNK, step=NBUF)
    def _(g0):
        for b in range(NBUF):
            g = g0 + b
            pltpu.make_async_copy(
                table_hbm.at[idx_v.at[pl.ds(g * CHUNK, CHUNK)]],
                rows_v.at[b],
                sems[b],
            ).wait()
            pltpu.sync_copy(
                rows_v.at[b],
                out_hbm.at[row, pl.ds(col + g * CHUNK, CHUNK)],
            )
            nxt = g + NBUF

            @pl.when(nxt < NCHUNK)
            def _():
                pltpu.async_copy(
                    table_hbm.at[idx_v.at[pl.ds(nxt * CHUNK, CHUNK)]],
                    rows_v.at[b],
                    sems[b],
                )


def kernel(input_ids, embed_table):
    return _embed_gather(input_ids.astype(jnp.int32), embed_table)

# --- scband reference (transcript-rebuilt; emitter-appended) ---
"""Pipeline reference for scband-embedding-86981677679282 (READ-ONLY COPY).

The authoritative reference and input builder live on the scoring server;
editing this copy changes nothing except your own understanding.
"""

import jax, jax.numpy as jnp
import numpy as np

VOCAB = 100000
D_MODEL = 2048
BATCH = 4
SEQ = 4096

def setup_inputs(seed: int = 0) -> dict:
    key = jax.random.key(seed)
    k_idx, k_tab = jax.random.split(key)
    input_ids = jax.random.randint(k_idx, (BATCH, SEQ), 0, VOCAB, dtype=jnp.int64)
    embed_table = jax.random.normal(k_tab, (VOCAB, D_MODEL), dtype=jnp.float32) * 0.02
    return {"input_ids": input_ids, "embed_table": embed_table}

def reference(input_ids, embed_table):
    # Equivalent of transformer.embed_tokens(input_ids).float()
    out = jnp.take(embed_table, input_ids, axis=0)
    return out.astype(jnp.float32)

if __name__ == "__main__":
    import jax
    _d = setup_inputs()
    print(jax.jit(kernel)(*tuple(_d.values())))

</pallas_src>

<mosaic_0001>
#map = affine_map<(d0, d1) -> (0, 0)>
#map1 = affine_map<(d0, d1) -> (0, 0, 0)>
module attributes {stable_mosaic.version = 14 : i64} {
  func.func @_embed_gather(%arg0: i32, %arg1: i32, %arg2: memref<4x4096xi32, #tpu.memory_space<hbm>>, %arg3: memref<100000x2048xf32, #tpu.memory_space<hbm>>, %arg4: memref<4x4096x2048xf32, #tpu.memory_space<hbm>>, %arg5: memref<512xi32, #tpu.memory_space<vmem>>, %arg6: memref<2x16x2048xf32, #tpu.memory_space<vmem>>, %arg7: memref<!tpu.dma_semaphore, #tpu.memory_space<semaphore_mem>>, %arg8: memref<!tpu.dma_semaphore, #tpu.memory_space<semaphore_mem>>) attributes {dimension_semantics = [#tpu.dimension_semantics<core_parallel>, #tpu.dimension_semantics<subcore_parallel>], iteration_bounds = array<i64: 2, 16>, scalar_prefetch = 0 : i64, scratch_operands = 4 : i64, tpu.core_type = #tpu.core_type<sc_vector_subcore>, window_params = [{transform_indices = #map}, {transform_indices = #map}, {transform_indices = #map1}]} {
    %mul3A = arith.constant 2 : i32
    %mul3A_0 = arith.muli %arg1, %mul3A : i32
    %add3A = arith.addi %mul3A_0, %arg0 : i32
    %jit3A = arith.constant 8 : i32
    %div3A = arith.divsi %add3A, %jit3A : i32
    %sign3A = arith.constant 0 : i32
    %sign3A_1 = arith.cmpi sgt, %add3A, %sign3A : i32
    %sign3A_2 = arith.extui %sign3A_1 : i1 to i32
    %sign3A_3 = arith.constant 0 : i32
    %sign3A_4 = arith.cmpi slt, %add3A, %sign3A_3 : i32
    %sign3A_5 = arith.extui %sign3A_4 : i1 to i32
    %sign3A_6 = arith.subi %sign3A_2, %sign3A_5 : i32
    %sign3A_7 = arith.constant 0 : i32
    %sign3A_8 = arith.cmpi sgt, %jit3A, %sign3A_7 : i32
    %sign3A_9 = arith.extui %sign3A_8 : i1 to i32
    %sign3A_10 = arith.constant 0 : i32
    %sign3A_11 = arith.cmpi slt, %jit3A, %sign3A_10 : i32
    %sign3A_12 = arith.extui %sign3A_11 : i1 to i32
    %sign3A_13 = arith.subi %sign3A_9, %sign3A_12 : i32
    %ne3A = arith.cmpi ne, %sign3A_6, %sign3A_13 : i32
    %rem3A = arith.remsi %add3A, %jit3A : i32
    %ne3A_14 = arith.constant 0 : i32
    %ne3A_15 = arith.cmpi ne, %rem3A, %ne3A_14 : i32
    %and3A = arith.andi %ne3A, %ne3A_15 : i1
    %sub3A = arith.constant 1 : i32
    %sub3A_16 = arith.subi %div3A, %sub3A : i32
    %select_n3A = arith.select %and3A, %sub3A_16, %div3A : i32
    %jit3A_17 = arith.constant 8 : i32
    %eq3A = arith.constant 0 : i32
    %eq3A_18 = arith.cmpi eq, %jit3A_17, %eq3A : i32
    %jit3A_19 = arith.constant 1 : i32
    %select_n3A_20 = arith.select %eq3A_18, %jit3A_19, %jit3A_17 : i32
    %rem3A_21 = arith.remsi %add3A, %select_n3A_20 : i32
    %ne3A_22 = arith.constant 0 : i32
    %ne3A_23 = arith.cmpi ne, %rem3A_21, %ne3A_22 : i32
    %lt3A = arith.constant 0 : i32
    %lt3A_24 = arith.cmpi slt, %rem3A_21, %lt3A : i32
    %lt3A_25 = arith.constant 0 : i32
    %lt3A_26 = arith.cmpi slt, %select_n3A_20, %lt3A_25 : i32
    %ne3A_27 = arith.xori %lt3A_24, %lt3A_26 : i1
    %and3A_28 = arith.andi %ne3A_27, %ne3A_23 : i1
    %add3A_29 = arith.addi %rem3A_21, %select_n3A_20 : i32
    %select_n3A_30 = arith.select %and3A_28, %add3A_29, %rem3A_21 : i32
    %mul3A_31 = arith.constant 512 : i32
    %mul3A_32 = arith.muli %select_n3A_30, %mul3A_31 : i32
    "tpu.region"() ({
      %run_scoped3A = tpu.sem_alloc : memref<!tpu.dma_semaphore, #tpu.memory_space<semaphore_mem>>
      %dma_start3A_56 = tpu.memref_slice %arg2[%select_n3A, %mul3A_32] : memref<4x4096xi32, #tpu.memory_space<hbm>> -> memref<1x512xi32, #tpu.memory_space<hbm>>
      %dma_start3A_57 = tpu.memref_squeeze %dma_start3A_56 : memref<1x512xi32, #tpu.memory_space<hbm>> -> memref<512xi32, #tpu.memory_space<hbm>>
      %dma_start3A_58 = tpu.memref_slice %arg2[%select_n3A, %mul3A_32] : memref<4x4096xi32, #tpu.memory_space<hbm>> -> memref<1x512xi32, #tpu.memory_space<hbm>>
      %dma_start3A_59 = tpu.memref_squeeze %dma_start3A_58 : memref<1x512xi32, #tpu.memory_space<hbm>> -> memref<512xi32, #tpu.memory_space<hbm>>
      tpu.enqueue_dma source(%dma_start3A_59 : memref<512xi32, #tpu.memory_space<hbm>>) target(%arg5 : memref<512xi32, #tpu.memory_space<vmem>>) target_semaphore(%run_scoped3A : memref<!tpu.dma_semaphore, #tpu.memory_space<semaphore_mem>>)
      %dma_wait3A = tpu.memref_slice %arg2[%select_n3A, %mul3A_32] : memref<4x4096xi32, #tpu.memory_space<hbm>> -> memref<1x512xi32, #tpu.memory_space<hbm>>
      %dma_wait3A_60 = tpu.memref_squeeze %dma_wait3A : memref<1x512xi32, #tpu.memory_space<hbm>> -> memref<512xi32, #tpu.memory_space<hbm>>
      %dma_wait3A_61 = tpu.memref_slice %arg2[%select_n3A, %mul3A_32] : memref<4x4096xi32, #tpu.memory_space<hbm>> -> memref<1x512xi32, #tpu.memory_space<hbm>>
      %dma_wait3A_62 = tpu.memref_squeeze %dma_wait3A_61 : memref<1x512xi32, #tpu.memory_space<hbm>> -> memref<512xi32, #tpu.memory_space<hbm>>
      tpu.wait_dma2 semaphore(%run_scoped3A : memref<!tpu.dma_semaphore, #tpu.memory_space<semaphore_mem>>) src(%dma_wait3A_62 : memref<512xi32, #tpu.memory_space<hbm>>) dst(%arg5 : memref<512xi32, #tpu.memory_space<vmem>>)
      tpu.yield
    }) : () -> ()
    %dma_start3A = arith.constant 0 : i32
    %dma_start3A_33 = arith.constant 0 : i32
    %dma_start3A_34 = arith.constant 0 : i32
    %dma_start3A_35 = tpu.memref_slice %arg6[%dma_start3A, %dma_start3A_33, %dma_start3A_34] : memref<2x16x2048xf32, #tpu.memory_space<vmem>> -> memref<1x16x2048xf32, #tpu.memory_space<vmem>>
    %dma_start3A_36 = tpu.memref_squeeze %dma_start3A_35 : memref<1x16x2048xf32, #tpu.memory_space<vmem>> -> memref<16x2048xf32, #tpu.memory_space<vmem>>
    %dma_start3A_37 = arith.constant 0 : i32
    %dma_start3A_38 = tpu.memref_slice %arg5[%dma_start3A_37] : memref<512xi32, #tpu.memory_space<vmem>> -> memref<16xi32, #tpu.memory_space<vmem>>
    %dma_start3A_39 = arith.constant 0 : i32
    %dma_start3A_40 = arith.constant 0 : i32
    %dma_start3A_41 = tpu.memref_slice %arg3[%dma_start3A_39, %dma_start3A_40] : memref<100000x2048xf32, #tpu.memory_space<hbm>> -> memref<100000x2048xf32, #tpu.memory_space<hbm>>
    tpu.enqueue_indirect_dma source(%dma_start3A_41 : memref<100000x2048xf32, #tpu.memory_space<hbm>>) target(%dma_start3A_36 : memref<16x2048xf32, #tpu.memory_space<vmem>>) offsets(%dma_start3A_38 : memref<16xi32, #tpu.memory_space<vmem>>) semaphore(%arg7 : memref<!tpu.dma_semaphore, #tpu.memory_space<semaphore_mem>>)
    %dma_start3A_42 = arith.constant 1 : i32
    %dma_start3A_43 = arith.constant 0 : i32
    %dma_start3A_44 = arith.constant 0 : i32
    %dma_start3A_45 = tpu.memref_slice %arg6[%dma_start3A_42, %dma_start3A_43, %dma_start3A_44] : memref<2x16x2048xf32, #tpu.memory_space<vmem>> -> memref<1x16x2048xf32, #tpu.memory_space<vmem>>
    %dma_start3A_46 = tpu.memref_squeeze %dma_start3A_45 : memref<1x16x2048xf32, #tpu.memory_space<vmem>> -> memref<16x2048xf32, #tpu.memory_space<vmem>>
    %dma_start3A_47 = arith.constant 16 : i32
    %dma_start3A_48 = tpu.memref_slice %arg5[%dma_start3A_47] : memref<512xi32, #tpu.memory_space<vmem>> -> memref<16xi32, #tpu.memory_space<vmem>>
    %dma_start3A_49 = arith.constant 0 : i32
    %dma_start3A_50 = arith.constant 0 : i32
    %dma_start3A_51 = tpu.memref_slice %arg3[%dma_start3A_49, %dma_start3A_50] : memref<100000x2048xf32, #tpu.memory_space<hbm>> -> memref<100000x2048xf32, #tpu.memory_space<hbm>>
    tpu.enqueue_indirect_dma source(%dma_start3A_51 : memref<100000x2048xf32, #tpu.memory_space<hbm>>) target(%dma_start3A_46 : memref<16x2048xf32, #tpu.memory_space<vmem>>) offsets(%dma_start3A_48 : memref<16xi32, #tpu.memory_space<vmem>>) semaphore(%arg8 : memref<!tpu.dma_semaphore, #tpu.memory_space<semaphore_mem>>)
    %scan3A = arith.constant 0 : i32
    %scan3A_52 = arith.constant 16 : i32
    %scan3A_53 = arith.addi %scan3A, %scan3A_52 : i32
    %scan3A_54 = arith.constant 1 : i32
    scf.for %scan3A_56 = %scan3A to %scan3A_53 step %scan3A_54  : i32 {
      %mul3A_57 = arith.constant 2 : i32
      %mul3A_58 = arith.muli %scan3A_56, %mul3A_57 : i32
      %add3A_59 = arith.constant 0 : i32
      %add3A_60 = arith.addi %add3A_59, %mul3A_58 : i32
      %add3A_61 = arith.constant 0 : i32
      %add3A_62 = arith.addi %add3A_60, %add3A_61 : i32
      %mul3A_63 = arith.constant 16 : i32
      %mul3A_64 = arith.muli %add3A_62, %mul3A_63 : i32
      %dma_wait3A = arith.constant 0 : i32
      %dma_wait3A_65 = arith.constant 0 : i32
      %dma_wait3A_66 = arith.constant 0 : i32
      %dma_wait3A_67 = tpu.memref_slice %arg6[%dma_wait3A, %dma_wait3A_65, %dma_wait3A_66] : memref<2x16x2048xf32, #tpu.memory_space<vmem>> -> memref<1x16x2048xf32, #tpu.memory_space<vmem>>
      %dma_wait3A_68 = tpu.memref_squeeze %dma_wait3A_67 : memref<1x16x2048xf32, #tpu.memory_space<vmem>> -> memref<16x2048xf32, #tpu.memory_space<vmem>>
      %dma_wait3A_69 = tpu.memref_slice %arg5[%mul3A_64] : memref<512xi32, #tpu.memory_space<vmem>> -> memref<16xi32, #tpu.memory_space<vmem>>
      %dma_wait3A_70 = arith.constant 0 : i32
      %dma_wait3A_71 = arith.constant 0 : i32
      %dma_wait3A_72 = tpu.memref_slice %arg3[%dma_wait3A_70, %dma_wait3A_71] : memref<100000x2048xf32, #tpu.memory_space<hbm>> -> memref<100000x2048xf32, #tpu.memory_space<hbm>>
      tpu.wait_indirect_dma semaphore(%arg7 : memref<!tpu.dma_semaphore, #tpu.memory_space<semaphore_mem>>) src(%dma_wait3A_72 : memref<100000x2048xf32, #tpu.memory_space<hbm>>) dst(%dma_wait3A_68 : memref<16x2048xf32, #tpu.memory_space<vmem>>)
      %mul3A_73 = arith.constant 16 : i32
      %mul3A_74 = arith.muli %add3A_62, %mul3A_73 : i32
      %add3A_75 = arith.addi %mul3A_32, %mul3A_74 : i32
      %run_scoped3A = arith.constant 0 : i32
      "tpu.region"() ({
        %run_scoped3A_105 = tpu.sem_alloc : memref<!tpu.dma_semaphore, #tpu.memory_space<semaphore_mem>>
        %dma_start3A_106 = arith.constant 0 : i32
        %dma_start3A_107 = arith.constant 0 : i32
        %dma_start3A_108 = tpu.memref_slice %arg6[%run_scoped3A, %dma_start3A_106, %dma_start3A_107] : memref<2x16x2048xf32, #tpu.memory_space<vmem>> -> memref<1x16x2048xf32, #tpu.memory_space<vmem>>
        %dma_start3A_109 = tpu.memref_squeeze %dma_start3A_108 : memref<1x16x2048xf32, #tpu.memory_space<vmem>> -> memref<16x2048xf32, #tpu.memory_space<vmem>>
        %dma_start3A_110 = arith.constant 0 : i32
        %dma_start3A_111 = tpu.memref_slice %arg4[%select_n3A, %add3A_75, %dma_start3A_110] : memref<4x4096x2048xf32, #tpu.memory_space<hbm>> -> memref<1x16x2048xf32, #tpu.memory_space<hbm>>
        %dma_start3A_112 = tpu.memref_squeeze %dma_start3A_111 : memref<1x16x2048xf32, #tpu.memory_space<hbm>> -> memref<16x2048xf32, #tpu.memory_space<hbm>>
        %dma_start3A_113 = arith.constant 0 : i32
        %dma_start3A_114 = tpu.memref_slice %arg4[%select_n3A, %add3A_75, %dma_start3A_113] : memref<4x4096x2048xf32, #tpu.memory_space<hbm>> -> memref<1x16x2048xf32, #tpu.memory_space<hbm>>
        %dma_start3A_115 = tpu.memref_squeeze %dma_start3A_114 : memref<1x16x2048xf32, #tpu.memory_space<hbm>> -> memref<16x2048xf32, #tpu.memory_space<hbm>>
        %dma_start3A_116 = arith.constant 0 : i32
        %dma_start3A_117 = arith.constant 0 : i32
        %dma_start3A_118 = tpu.memref_slice %arg6[%run_scoped3A, %dma_start3A_116, %dma_start3A_117] : memref<2x16x2048xf32, #tpu.memory_space<vmem>> -> memref<1x16x2048xf32, #tpu.memory_space<vmem>>
        %dma_start3A_119 = tpu.memref_squeeze %dma_start3A_118 : memref<1x16x2048xf32, #tpu.memory_space<vmem>> -> memref<16x2048xf32, #tpu.memory_space<vmem>>
        tpu.enqueue_dma source(%dma_start3A_119 : memref<16x2048xf32, #tpu.memory_space<vmem>>) target(%dma_start3A_115 : memref<16x2048xf32, #tpu.memory_space<hbm>>) target_semaphore(%run_scoped3A_105 : memref<!tpu.dma_semaphore, #tpu.memory_space<semaphore_mem>>)
        %dma_wait3A_120 = arith.constant 0 : i32
        %dma_wait3A_121 = arith.constant 0 : i32
        %dma_wait3A_122 = tpu.memref_slice %arg6[%run_scoped3A, %dma_wait3A_120, %dma_wait3A_121] : memref<2x16x2048xf32, #tpu.memory_space<vmem>> -> memref<1x16x2048xf32, #tpu.memory_space<vmem>>
        %dma_wait3A_123 = tpu.memref_squeeze %dma_wait3A_122 : memref<1x16x2048xf32, #tpu.memory_space<vmem>> -> memref<16x2048xf32, #tpu.memory_space<vmem>>
        %dma_wait3A_124 = arith.constant 0 : i32
        %dma_wait3A_125 = tpu.memref_slice %arg4[%select_n3A, %add3A_75, %dma_wait3A_124] : memref<4x4096x2048xf32, #tpu.memory_space<hbm>> -> memref<1x16x2048xf32, #tpu.memory_space<hbm>>
        %dma_wait3A_126 = tpu.memref_squeeze %dma_wait3A_125 : memref<1x16x2048xf32, #tpu.memory_space<hbm>> -> memref<16x2048xf32, #tpu.memory_space<hbm>>
        %dma_wait3A_127 = arith.constant 0 : i32
        %dma_wait3A_128 = tpu.memref_slice %arg4[%select_n3A, %add3A_75, %dma_wait3A_127] : memref<4x4096x2048xf32, #tpu.memory_space<hbm>> -> memref<1x16x2048xf32, #tpu.memory_space<hbm>>
        %dma_wait3A_129 = tpu.memref_squeeze %dma_wait3A_128 : memref<1x16x2048xf32, #tpu.memory_space<hbm>> -> memref<16x2048xf32, #tpu.memory_space<hbm>>
        %dma_wait3A_130 = arith.constant 0 : i32
        %dma_wait3A_131 = arith.constant 0 : i32
        %dma_wait3A_132 = tpu.memref_slice %arg6[%run_scoped3A, %dma_wait3A_130, %dma_wait3A_131] : memref<2x16x2048xf32, #tpu.memory_space<vmem>> -> memref<1x16x2048xf32, #tpu.memory_space<vmem>>
        %dma_wait3A_133 = tpu.memref_squeeze %dma_wait3A_132 : memref<1x16x2048xf32, #tpu.memory_space<vmem>> -> memref<16x2048xf32, #tpu.memory_space<vmem>>
        tpu.wait_dma2 semaphore(%run_scoped3A_105 : memref<!tpu.dma_semaphore, #tpu.memory_space<semaphore_mem>>) src(%dma_wait3A_133 : memref<16x2048xf32, #tpu.memory_space<vmem>>) dst(%dma_wait3A_129 : memref<16x2048xf32, #tpu.memory_space<hbm>>)
        tpu.yield
      }) : () -> ()
      %add3A_76 = arith.constant 2 : i32
      %add3A_77 = arith.addi %add3A_62, %add3A_76 : i32
      %lt3A_78 = arith.constant 32 : i32
      %lt3A_79 = arith.cmpi slt, %add3A_77, %lt3A_78 : i32
      %convert_element_type3A = arith.extui %lt3A_79 : i1 to i32
      %cond3A = arith.constant 0 : i32
      %cond3A_80 = arith.cmpi ne, %convert_element_type3A, %cond3A : i32
      scf.if %cond3A_80 {
        %mul3A_105 = arith.constant 16 : i32
        %mul3A_106 = arith.muli %add3A_77, %mul3A_105 : i32
        %dma_start3A_107 = arith.constant 0 : i32
        %dma_start3A_108 = arith.constant 0 : i32
        %dma_start3A_109 = arith.constant 0 : i32
        %dma_start3A_110 = tpu.memref_slice %arg6[%dma_start3A_107, %dma_start3A_108, %dma_start3A_109] : memref<2x16x2048xf32, #tpu.memory_space<vmem>> -> memref<1x16x2048xf32, #tpu.memory_space<vmem>>
        %dma_start3A_111 = tpu.memref_squeeze %dma_start3A_110 : memref<1x16x2048xf32, #tpu.memory_space<vmem>> -> memref<16x2048xf32, #tpu.memory_space<vmem>>
        %dma_start3A_112 = tpu.memref_slice %arg5[%mul3A_106] : memref<512xi32, #tpu.memory_space<vmem>> -> memref<16xi32, #tpu.memory_space<vmem>>
        %dma_start3A_113 = arith.constant 0 : i32
        %dma_start3A_114 = arith.constant 0 : i32
        %dma_start3A_115 = tpu.memref_slice %arg3[%dma_start3A_113, %dma_start3A_114] : memref<100000x2048xf32, #tpu.memory_space<hbm>> -> memref<100000x2048xf32, #tpu.memory_space<hbm>>
        tpu.enqueue_indirect_dma source(%dma_start3A_115 : memref<100000x2048xf32, #tpu.memory_space<hbm>>) target(%dma_start3A_111 : memref<16x2048xf32, #tpu.memory_space<vmem>>) offsets(%dma_start3A_112 : memref<16xi32, #tpu.memory_space<vmem>>) semaphore(%arg7 : memref<!tpu.dma_semaphore, #tpu.memory_space<semaphore_mem>>)
      } else {
      }
      %add3A_81 = arith.constant 1 : i32
      %add3A_82 = arith.addi %add3A_60, %add3A_81 : i32
      %mul3A_83 = arith.constant 16 : i32
      %mul3A_84 = arith.muli %add3A_82, %mul3A_83 : i32
      %dma_wait3A_85 = arith.constant 1 : i32
      %dma_wait3A_86 = arith.constant 0 : i32
      %dma_wait3A_87 = arith.constant 0 : i32
      %dma_wait3A_88 = tpu.memref_slice %arg6[%dma_wait3A_85, %dma_wait3A_86, %dma_wait3A_87] : memref<2x16x2048xf32, #tpu.memory_space<vmem>> -> memref<1x16x2048xf32, #tpu.memory_space<vmem>>
      %dma_wait3A_89 = tpu.memref_squeeze %dma_wait3A_88 : memref<1x16x2048xf32, #tpu.memory_space<vmem>> -> memref<16x2048xf32, #tpu.memory_space<vmem>>
      %dma_wait3A_90 = tpu.memref_slice %arg5[%mul3A_84] : memref<512xi32, #tpu.memory_space<vmem>> -> memref<16xi32, #tpu.memory_space<vmem>>
      %dma_wait3A_91 = arith.constant 0 : i32
      %dma_wait3A_92 = arith.constant 0 : i32
      %dma_wait3A_93 = tpu.memref_slice %arg3[%dma_wait3A_91, %dma_wait3A_92] : memref<100000x2048xf32, #tpu.memory_space<hbm>> -> memref<100000x2048xf32, #tpu.memory_space<hbm>>
      tpu.wait_indirect_dma semaphore(%arg8 : memref<!tpu.dma_semaphore, #tpu.memory_space<semaphore_mem>>) src(%dma_wait3A_93 : memref<100000x2048xf32, #tpu.memory_space<hbm>>) dst(%dma_wait3A_89 : memref<16x2048xf32, #tpu.memory_space<vmem>>)
      %mul3A_94 = arith.constant 16 : i32
      %mul3A_95 = arith.muli %add3A_82, %mul3A_94 : i32
      %add3A_96 = arith.addi %mul3A_32, %mul3A_95 : i32
      %run_scoped3A_97 = arith.constant 1 : i32
      "tpu.region"() ({
        %run_scoped3A_105 = tpu.sem_alloc : memref<!tpu.dma_semaphore, #tpu.memory_space<semaphore_mem>>
        %dma_start3A_106 = arith.constant 0 : i32
        %dma_start3A_107 = arith.constant 0 : i32
        %dma_start3A_108 = tpu.memref_slice %arg6[%run_scoped3A_97, %dma_start3A_106, %dma_start3A_107] : memref<2x16x2048xf32, #tpu.memory_space<vmem>> -> memref<1x16x2048xf32, #tpu.memory_space<vmem>>
        %dma_start3A_109 = tpu.memref_squeeze %dma_start3A_108 : memref<1x16x2048xf32, #tpu.memory_space<vmem>> -> memref<16x2048xf32, #tpu.memory_space<vmem>>
        %dma_start3A_110 = arith.constant 0 : i32
        %dma_start3A_111 = tpu.memref_slice %arg4[%select_n3A, %add3A_96, %dma_start3A_110] : memref<4x4096x2048xf32, #tpu.memory_space<hbm>> -> memref<1x16x2048xf32, #tpu.memory_space<hbm>>
        %dma_start3A_112 = tpu.memref_squeeze %dma_start3A_111 : memref<1x16x2048xf32, #tpu.memory_space<hbm>> -> memref<16x2048xf32, #tpu.memory_space<hbm>>
        %dma_start3A_113 = arith.constant 0 : i32
        %dma_start3A_114 = tpu.memref_slice %arg4[%select_n3A, %add3A_96, %dma_start3A_113] : memref<4x4096x2048xf32, #tpu.memory_space<hbm>> -> memref<1x16x2048xf32, #tpu.memory_space<hbm>>
        %dma_start3A_115 = tpu.memref_squeeze %dma_start3A_114 : memref<1x16x2048xf32, #tpu.memory_space<hbm>> -> memref<16x2048xf32, #tpu.memory_space<hbm>>
        %dma_start3A_116 = arith.constant 0 : i32
        %dma_start3A_117 = arith.constant 0 : i32
        %dma_start3A_118 = tpu.memref_slice %arg6[%run_scoped3A_97, %dma_start3A_116, %dma_start3A_117] : memref<2x16x2048xf32, #tpu.memory_space<vmem>> -> memref<1x16x2048xf32, #tpu.memory_space<vmem>>
        %dma_start3A_119 = tpu.memref_squeeze %dma_start3A_118 : memref<1x16x2048xf32, #tpu.memory_space<vmem>> -> memref<16x2048xf32, #tpu.memory_space<vmem>>
        tpu.enqueue_dma source(%dma_start3A_119 : memref<16x2048xf32, #tpu.memory_space<vmem>>) target(%dma_start3A_115 : memref<16x2048xf32, #tpu.memory_space<hbm>>) target_semaphore(%run_scoped3A_105 : memref<!tpu.dma_semaphore, #tpu.memory_space<semaphore_mem>>)
        %dma_wait3A_120 = arith.constant 0 : i32
        %dma_wait3A_121 = arith.constant 0 : i32
        %dma_wait3A_122 = tpu.memref_slice %arg6[%run_scoped3A_97, %dma_wait3A_120, %dma_wait3A_121] : memref<2x16x2048xf32, #tpu.memory_space<vmem>> -> memref<1x16x2048xf32, #tpu.memory_space<vmem>>
        %dma_wait3A_123 = tpu.memref_squeeze %dma_wait3A_122 : memref<1x16x2048xf32, #tpu.memory_space<vmem>> -> memref<16x2048xf32, #tpu.memory_space<vmem>>
        %dma_wait3A_124 = arith.constant 0 : i32
        %dma_wait3A_125 = tpu.memref_slice %arg4[%select_n3A, %add3A_96, %dma_wait3A_124] : memref<4x4096x2048xf32, #tpu.memory_space<hbm>> -> memref<1x16x2048xf32, #tpu.memory_space<hbm>>
        %dma_wait3A_126 = tpu.memref_squeeze %dma_wait3A_125 : memref<1x16x2048xf32, #tpu.memory_space<hbm>> -> memref<16x2048xf32, #tpu.memory_space<hbm>>
        %dma_wait3A_127 = arith.constant 0 : i32
        %dma_wait3A_128 = tpu.memref_slice %arg4[%select_n3A, %add3A_96, %dma_wait3A_127] : memref<4x4096x2048xf32, #tpu.memory_space<hbm>> -> memref<1x16x2048xf32, #tpu.memory_space<hbm>>
        %dma_wait3A_129 = tpu.memref_squeeze %dma_wait3A_128 : memref<1x16x2048xf32, #tpu.memory_space<hbm>> -> memref<16x2048xf32, #tpu.memory_space<hbm>>
        %dma_wait3A_130 = arith.constant 0 : i32
        %dma_wait3A_131 = arith.constant 0 : i32
        %dma_wait3A_132 = tpu.memref_slice %arg6[%run_scoped3A_97, %dma_wait3A_130, %dma_wait3A_131] : memref<2x16x2048xf32, #tpu.memory_space<vmem>> -> memref<1x16x2048xf32, #tpu.memory_space<vmem>>
        %dma_wait3A_133 = tpu.memref_squeeze %dma_wait3A_132 : memref<1x16x2048xf32, #tpu.memory_space<vmem>> -> memref<16x2048xf32, #tpu.memory_space<vmem>>
        tpu.wait_dma2 semaphore(%run_scoped3A_105 : memref<!tpu.dma_semaphore, #tpu.memory_space<semaphore_mem>>) src(%dma_wait3A_133 : memref<16x2048xf32, #tpu.memory_space<vmem>>) dst(%dma_wait3A_129 : memref<16x2048xf32, #tpu.memory_space<hbm>>)
        tpu.yield
      }) : () -> ()
      %add3A_98 = arith.constant 2 : i32
      %add3A_99 = arith.addi %add3A_82, %add3A_98 : i32
      %lt3A_100 = arith.constant 32 : i32
      %lt3A_101 = arith.cmpi slt, %add3A_99, %lt3A_100 : i32
      %convert_element_type3A_102 = arith.extui %lt3A_101 : i1 to i32
      %cond3A_103 = arith.constant 0 : i32
      %cond3A_104 = arith.cmpi ne, %convert_element_type3A_102, %cond3A_103 : i32
      scf.if %cond3A_104 {
        %mul3A_105 = arith.constant 16 : i32
        %mul3A_106 = arith.muli %add3A_99, %mul3A_105 : i32
        %dma_start3A_107 = arith.constant 1 : i32
        %dma_start3A_108 = arith.constant 0 : i32
        %dma_start3A_109 = arith.constant 0 : i32
        %dma_start3A_110 = tpu.memref_slice %arg6[%dma_start3A_107, %dma_start3A_108, %dma_start3A_109] : memref<2x16x2048xf32, #tpu.memory_space<vmem>> -> memref<1x16x2048xf32, #tpu.memory_space<vmem>>
        %dma_start3A_111 = tpu.memref_squeeze %dma_start3A_110 : memref<1x16x2048xf32, #tpu.memory_space<vmem>> -> memref<16x2048xf32, #tpu.memory_space<vmem>>
        %dma_start3A_112 = tpu.memref_slice %arg5[%mul3A_106] : memref<512xi32, #tpu.memory_space<vmem>> -> memref<16xi32, #tpu.memory_space<vmem>>
        %dma_start3A_113 = arith.constant 0 : i32
        %dma_start3A_114 = arith.constant 0 : i32
        %dma_start3A_115 = tpu.memref_slice %arg3[%dma_start3A_113, %dma_start3A_114] : memref<100000x2048xf32, #tpu.memory_space<hbm>> -> memref<100000x2048xf32, #tpu.memory_space<hbm>>
        tpu.enqueue_indirect_dma source(%dma_start3A_115 : memref<100000x2048xf32, #tpu.memory_space<hbm>>) target(%dma_start3A_111 : memref<16x2048xf32, #tpu.memory_space<vmem>>) offsets(%dma_start3A_112 : memref<16xi32, #tpu.memory_space<vmem>>) semaphore(%arg8 : memref<!tpu.dma_semaphore, #tpu.memory_space<semaphore_mem>>)
      } else {
      }
    }
    %scan3A_55 = arith.constant 16 : i32
    return
  }
}

</mosaic_0001>

<sc_bundles>
// kernel: kernel.3.cloned.1.call-start
scs
__scs_entry_jumppad:
0x0: {  	(pc) =	sbr.rel $0x88, $3  }
0x1: {  	(tag) =	ssettag $0x0;
	lr =	simm.s32 $0x1  }
0x2: {  	[smem:$0x3F9F] =	sst lr;
	_ =	strace $0xD0000000  }
0x3: {  	_ = 	snop  }
0x4: {  	_ = 	snop  }
0x5: {  	_ = 	snop  }
0x6: {  	_ = 	snop  }
0x7: {  	_ = 	snop  }
__scs_overlays_trampoline_lowered:
0x8: {  	[smem:$0x3FAE] =	sst s0  }
0x9: {  	[smem:$0x3FAF] =	sst s1  }
0xa: {  	[smem:$0x3FB0] =	sst s2  }
0xb: {  	[smem:$0x3FB1] =	sst s3  }
0xc: {  	[smem:$0x3FB2] =	sst s4  }
0xd: {  	[smem:$0x3FB3] =	sst s5  }
0xe: {  	[smem:$0x3FB4] =	sst s6  }
0xf: {  	[smem:$0x3FB5] =	sst s7  }
0x10: {  	[smem:$0x3FB6] =	sst s8  }
0x11: {  	[smem:$0x3FB7] =	sst s9;
	s0 =	simm.s32 @!p0 $0x0  }
0x12: {  	s1 =	sld [smem:$0x3F9D];
	s0 =	simm.s32 @p0 $0x1  }
0x13: {  	[smem:$0x3FB8] =	sst s0;
	s0 =	simm.s32 @!p1 $0x0  }
0x14: {  	s2 =	sld [smem:$0x3F9C];
	s0 =	simm.s32 @p1 $0x1  }
0x15: {  	[smem:$0x3FB9] =	sst s0;
	s0 =	simm.s32 @!p2 $0x0  }
0x16: {  	s3 =	sld [smem:$0x3FDB];
	s0 =	simm.s32 @p2 $0x1  }
0x17: {  	s4 =	simm.s32 $0x1BF5;
	[smem:$0x3FBB] =	sst s0  }
0x18: {  	s0 =	sld [smem:$0x3F9E];
	_ =	swait.ge [sflag:s4], $0x0  }
0x19: {  	s7 =	sld [smem:$0x3F9F]  }
0x1a: {  	s8 =	sadd.s32 $0xFFFFE003, lr  }
0x1b: {  	s9 =	sadd.s32 $0xFFFFFEF7, lr;
	s5 =	simm.s32 $0xFFFFFFFF;
	p2 =	slt.u32 s8, $0xFFFFF086  }
0x1c: {  	p1 =	slt.u32 s9, $0xF7A;
	s5 =	simm.s32 @!p2 $0x0  }
0x1d: {  	s5 =	simm.s32 @p1 $0x1;
	p0 =	seq.s32 s7, s2  }
0x1e: {  	s7 =	smul.u32 @!p0 $0xF7A, s2;
	p2 =	seq.s32 @!p0 s5, $0x0  }
0x1f: {  	s9 =	smul.u32 $0xF7A, s1;
	s8 =	simm.s32 @!p0 $0x1BF5;
	p2 =	por !p2, p0  }
0x20: {  	[sflag:s8] =	ssyncset.s32 @!p0 $0xFFFFF086;
	s6 =	sadd.s32 @!p0 s3, s7;
	s7 =	simm.s32 @!p0 $0x108  }
0x21: {  	s3 =	sadd.s32 s3, s9;
	s6 =	sadd.s32 @!p0 $0x88, s6;
	s7 =	simm.s32 @p2 $0x1082  }
0x22: {  	[simem:s7], [sflag:s8] =	dma.local @!p0 [hbm:s6], $0xF7A  }
0x23: {  	s9 =	sor.u32 $0xD0000000, s2;
	s6 =	simm.s32 $0x108;
	_ =	swait.ge @!p0 [sflag:s8], $0x0  }
0x24: {  	s3 =	sadd.s32 $0x88, s3;
	s6 =	simm.s32 @!p1 $0x1082;
	[sflag:s4] =	ssyncset.s32 $0xFFFFF086  }
0x25: {  	[simem:s6], [sflag:s4] =	dma.local [hbm:s3], $0xF7A  }
0x26: {  	[smem:$0x3F9F] =	sst s1;
	(tag) =	ssettag s2;
	_ =	strace s9  }
0x27: {  	s1 =	sld [smem:$0x3FAF]  }
0x28: {  	s2 =	sld [smem:$0x3FB0]  }
0x29: {  	s4 =	sld [smem:$0x3FB2]  }
0x2a: {  	p0 =	seq.s32 s5, $0x0;
	s5 =	sld [smem:$0x3FB3]  }
0x2b: {  	s6 =	sld [smem:$0x3FB4]  }
0x2c: {  	s7 =	sld [smem:$0x3FB5]  }
0x2d: {  	s3 =	simm.s32 $0x108;
	s8 =	sld [smem:$0x3FB6]  }
0x2e: {  	s3 =	simm.s32 @!p0 $0x1082;
	s9 =	sld [smem:$0x3FB7]  }
0x2f: {  	lr =	sadd.s32 s0, s3;
	s0 =	sld [smem:$0x3FAE]  }
0x30: {  	s3 =	sld [smem:$0x3FB1]  }
0x31: {  	[smem:$0x3FBA] =	sst s10  }
0x32: {  	s10 =	sld [smem:$0x3FB8];
	_ =	sdelay $0x3  }
0x33: {  	p0 =	seq.s32 s10, $0x1;
	s10 =	sld [smem:$0x3FBA];
	_ =	sdelay $0x3  }
0x34: {  	[smem:$0x3FBA] =	sst s10  }
0x35: {  	s10 =	sld [smem:$0x3FB9];
	_ =	sdelay $0x3  }
0x36: {  	p1 =	seq.s32 s10, $0x1;
	s10 =	sld [smem:$0x3FBA];
	_ =	sdelay $0x3  }
0x37: {  	[smem:$0x3FBA] =	sst s10  }
0x38: {  	s10 =	sld [smem:$0x3FBB]  }
0x39: {  	_ = 	snop;
	(pc) =	sbr.ind lr, $3  }
0x3a: {  	_ = 	snop  }
0x3b: {  	_ = 	snop  }
0x3c: {  	p2 =	seq.s32 s10, $0x1;
	s10 =	sld [smem:$0x3FBA]  }
0x3d: {  	_ =	shalt  }
0x3e: {  	_ =	shalt  }
0x3f: {  	_ =	shalt  }
0x40: {  	_ =	shalt  }
0x41: {  	_ =	shalt  }
0x42: {  	_ =	shalt  }
0x43: {  	_ =	shalt  }
0x44: {  	_ =	shalt  }
0x45: {  	_ =	shalt  }
0x46: {  	_ =	shalt  }
0x47: {  	_ =	shalt  }
0x48: {  	_ =	shalt  }
0x49: {  	_ =	shalt  }
0x4a: {  	_ =	shalt  }
0x4b: {  	_ =	shalt  }
0x4c: {  	_ =	shalt  }
0x4d: {  	_ =	shalt  }
0x4e: {  	_ =	shalt  }
0x4f: {  	_ =	shalt  }
0x50: {  	_ =	shalt  }
0x51: {  	_ =	shalt  }
0x52: {  	_ =	shalt  }
0x53: {  	_ =	shalt  }
0x54: {  	_ =	shalt  }
0x55: {  	_ =	shalt  }
0x56: {  	_ =	shalt  }
0x57: {  	_ =	shalt  }
0x58: {  	_ =	shalt  }
0x59: {  	_ =	shalt  }
0x5a: {  	_ =	shalt  }
0x5b: {  	_ =	shalt  }
0x5c: {  	_ =	shalt  }
0x5d: {  	_ =	shalt  }
0x5e: {  	_ =	shalt  }
0x5f: {  	_ =	shalt  }
0x60: {  	_ =	shalt  }
0x61: {  	_ =	shalt  }
0x62: {  	_ =	shalt  }
0x63: {  	_ =	shalt  }
0x64: {  	_ =	shalt  }
0x65: {  	_ =	shalt  }
0x66: {  	_ =	shalt  }
0x67: {  	_ =	shalt  }
0x68: {  	_ =	shalt  }
0x69: {  	_ =	shalt  }
0x6a: {  	_ =	shalt  }
0x6b: {  	_ =	shalt  }
0x6c: {  	_ =	shalt  }
0x6d: {  	_ =	shalt  }
0x6e: {  	_ =	shalt  }
0x6f: {  	_ =	shalt  }
0x70: {  	_ =	shalt  }
0x71: {  	_ =	shalt  }
0x72: {  	_ =	shalt  }
0x73: {  	_ =	shalt  }
0x74: {  	_ =	shalt  }
0x75: {  	_ =	shalt  }
0x76: {  	_ =	shalt  }
0x77: {  	_ =	shalt  }
0x78: {  	_ =	shalt  }
0x79: {  	_ =	shalt  }
0x7a: {  	_ =	shalt  }
0x7b: {  	_ =	shalt  }
0x7c: {  	_ =	shalt  }
0x7d: {  	_ =	shalt  }
0x7e: {  	_ =	shalt  }
0x7f: {  	_ =	shalt  }
0x80: {  	_ =	shalt  }
0x81: {  	_ =	shalt  }
0x82: {  	_ =	shalt  }
0x83: {  	_ =	shalt  }
0x84: {  	_ =	shalt  }
0x85: {  	_ =	shalt  }
0x86: {  	_ =	shalt  }
0x87: {  	_ =	shalt  }
.Lfunc_end0:
.L_simem_size_0:
called_computation_lowered:
.L_overlay_start_0:
0x88: {  	s2 =	sld [smem:$0x3FD9]  }
0x89: {  	s3 =	sld [smem:$0x3FFE];
	_ =	sdelay $0x1  }
0x8a: {  	s1 =	srdreg.scid  }
0x8b: {  	s0 =	sand.u32 $0x1, s1  }
0x8c: {  	s18 =	sshll.u32 s0, $0xA;
	s2 =	sadd.s32 s3, s2  }
0x8d: {  	s2 =	sadd.s32 s2, s18  }
0x8e: {  	[smem:$0x3FC6] =	sst s2  }
0x8f: {  	_ = 	snop  }
0x90: {  	s2 =	sld [smem:$0x3FC9]  }
0x91: {  	s19 =	sld [smem:$0x3FC8]  }
0x92: {  	s4 =	sld [smem:$0x3FD0];
	(tm) =	ssettm $0x1  }
0x93: {  	s5 =	sld [smem:$0x3FFB];
	_ =	sdelay $0x3  }
0x94: {  	_ =	strace s5  }
0x95: {  	s5 =	sld [smem:$0x3FFC];
	_ =	sdelay $0x3  }
0x96: {  	_ =	strace s5  }
0x97: {  	s5 =	sld [smem:$0x3FFD];
	_ =	sdelay $0x3  }
0x98: {  	_ =	strace s5  }
0x99: {  	_ =	strace $0x8FFFFFFF  }
0x9a: {  	s20 =	sld [smem:$0x3FDB];
	_ =	sdelay $0x1  }
0x9b: {  	s6 =	simm.s32 $_scs_section_size  }
0x9c: {  	s7 =	simm.s32 $_size__tile_overlayer_lowered;
	s8 =	simm.s32 $_tile_overlayer_lowered  }
0x9d: {  	s23 =	simm.s32 $0x1BFF;
	s22 =	sshll.u32 s8, $0x1;
	s5 =	sadd.s32 s6, s20  }
0x9e: {  	s9 =	simm.s32 $0x0;
	s21 =	sshll.u32 s7, $0x1;
	s7 =	sadd.s32 s22, s5  }
0x9f: {  	[timem:s9], [sflag:s23] =	dma.local [hbm:s7], s21  }
0xa0: {  	_ =	swait.ge [sflag:s23], s21  }
0xa1: {  	s6 =	ssub.s32 $0x0, s21;
	[sflag:s23] =	ssyncset.done $0x0  }
0xa2: {  	[sflag:s23] =	ssyncadd.s32 s6;
	_ =	sdelay $0x1  }
0xa3: {  	s24 =	simm.s32 $0x1B8B  }
0xa4: {  	_ =	swait.ge [sflag:s24], $0x1  }
0xa5: {  	[sflag:s24] =	ssyncset.done $0x0  }
0xa6: {  	s25 =	simm.s32 $0x1B8E;
	[sflag:s24] =	ssyncadd.s32 $0xFFFFFFFF  }
0xa7: {  	s26 =	simm.s32 $execute0_lowered;
	[smem:$0x3FD2] =	sst s25  }
0xa8: {  	s6 =	sshll.u32 s26, $0x1;
	_ =	strace $0x80000046;
	[dreg:$0x1] =	wrdreg $0xFFFFFFFF  }
0xa9: {  	s28 =	simm.s32 $_size_execute0_lowered;
	s5 =	sadd.s32 s5, s6;
	[dreg:$0x0] =	wrdreg $0x0  }
0xaa: {  	s6 =	sshll.u32 s28, $0x1;
	[dreg:$0x2] =	wrdreg s5  }
0xab: {  	[dreg:$0x3] =	wrdreg s6  }
0xac: {  	[dreg:$0x4] =	wrdreg $0xC0  }
0xad: {  	_ =	task [dreg:s9], $0x5FFFF  }
0xae: {  	[dreg:$0x1] =	wrdreg $0xFFFFFFFF  }
0xaf: {  	[dreg:$0x0] =	wrdreg $0x60  }
0xb0: {  	[dreg:$0x2] =	wrdreg s2  }
0xb1: {  	[dreg:$0x3] =	wrdreg s19  }
0xb2: {  	[dreg:$0x4] =	wrdreg s4  }
0xb3: {  	[dreg:$0x5] =	wrdreg $0x9  }
0xb4: {  	_ =	task.clear_ibuf [dreg:s9], $0x6FFFF;
	_ =	strace $0x90000046  }
0xb5: {  	s29 =	simm.s32 $0x9;
	_ =	strace $0x80000048  }
0xb6: {  	_ =	swait.ge [sflag:s29], $0x1  }
0xb7: {  	[sflag:s29] =	ssyncadd.s32 $0xFFFFFFFF  }
0xb8: {  	_ =	strace $0x90000048  }
0xb9: {  	_ =	sfence  }
0xba: {  	s30 =	sld [smem:$0x0];
	_ =	sdelay $0x2  }
0xbb: {  	s31 =	sshll.u32 s1, $0xD;
	s1 =	sshrl.u32 s1, $0x2  }
0xbc: {  	s3 =	sand.u32 $0x4000, s31;
	s1 =	sadd.s32 s1, s30  }
0xbd: {  	s0 =	sor.u32 s3, s0;
	s1 =	sshll.u32 s1, $0x11  }
0xbe: {  	s0 =	sor.u32 s1, s0  }
0xbf: {  	s0 =	sadd.s32 $0x8F2B, s0  }
0xc0: {  	[sflag:s0] =	ssyncadd.remote.s32 $0x1  }
0xc1: {  	_ =	sfence.sel $0xFFFF  }
0xc2: {  	[dreg:$0x0] =	wrdreg $0xFFFFFFFF;
	(pc) =	sbr.abs _section_cstart, $3  }
0xc3: {  	[dreg:$0x1] =	wrdreg $0xFFFFFFFF  }
0xc4: {  	_ =	task.clear_ibuf [dreg:s9], $0x2FFFF;
	_ =	strace $0x9FFFFFFF  }
0xc5: {  	(tm) =	ssettm $0x7FFFFFFF  }
tec
execute0_lowered:
.L_overlay_start_1:
0x0: {  	(tag) =	ssettag $0x1  }
0x1: {  	s0 =	rddreg [dreg:$0x0]  }
0x2: {  	s1 =	rddreg [dreg:$0x1]  }
0x3: {  	s2 =	rddreg [dreg:$0x2];
	s3 =	simm.s32 $0x0;
	s4 =	srdreg.scid  }
0x4: {  	s10 =	stileid.u32;
	s17 =	simm.s32 $0x3;
	s15 =	simm.s32 $0x8200  }
0x5: {  	s22 =	simm.s32 $0xAA00;
	s23 =	simm.s32 $0xB200;
	s24 =	simm.s32 $0xBA00  }
0x6: {  	s28 =	simm.s32 $0xD200;
	s29 =	simm.s32 $0xDA00;
	s30 =	simm.s32 $0xE200  }
0x7: {  	s31 =	simm.s32 $0xEA00;
	s18 =	simm.s32 $0x0;
	s21 =	simm.s32 $0x200  }
0x8: {  	[smem:$0x7FF] =	sst s3;
	s4 =	sand.u32 $0x1, s4;
	s5 =	sshll.u32 s10, $0x1  }
0x9: {  	s7 =	sshrl.u32 s10, $0x2;
	s25 =	sand.u32 $0x3, s10;
	s10 =	sadd.s32 $0x600, s1  }
0xa: {  	s11 =	sadd.s32 $0x700, s1;
	_ =	strace $0x80000047;
	s6 =	ssub.s32 $0x2, s4  }
0xb: {  	s5 =	sand.u32 $0x6, s5;
	s9 =	sshll.u32 s7, $0x4;
	s26 =	sshll.u32 s7, $0x17  }
0xc: {  	s7 =	sadd.s32 $0x300, s1;
	s8 =	sshrl.u32 s6, $0x1;
	s5 =	sor.u32 s4, s5  }
0xd: {  	s0 =	sadd.s32 s0, s9;
	s4 =	sshll.u32 s4, $0x14;
	s9 =	sadd.s32 $0x500, s1  }
0xe: {  	s12 =	ssub.s32 s6, s8;
	s5 =	sshll.u32 s5, $0x8;
	s6 =	sadd.s32 $0x200, s1  }
0xf: {  	s8 =	sadd.s32 $0x400, s1;
	s0 =	sadd.s32 s5, s0;
	s5 =	sadd.s32 $0x100, s1  }
0x10: {  	s12 =	smax.u32 s12, $0x1;
	[dreg:$0x4] =	wrdreg s0;
	s0 =	sshll.u32 s25, $0x15  }
.Ltmp0:
0x11: {  	[dreg:$0x5] =	wrdreg s12;
	s0 =	sor.u32 s0, s26;
	(pc) =	sbr.rel .LBB2_1-.Ltmp0, $4  }
0x12: {  	s25 =	simm.s32 $0xC200;
	s12 =	simm.s32 $0x2;
	s0 =	sor.u32 s4, s0  }
0x13: {  	v2 =	vlaneseq.u32;
	s26 =	simm.s32 $0xCA00;
	s4 =	sor.u32 $0x8000, s0;
	s0 =	sshrl.u32 s0, $0x3  }
0x14: {  	vm0 =	vmmov $0xffff;
	v1 =	vshrl.u32 v2, $0x3;
	s4 =	sshrl.u32 s4, $0x3;
	s14 =	sadd.s32 s0, s2;
	s0 =	simm.s32 $0xF200  }
0x15: {  	v0 =	vand.u32 $0x7, v2;
	v2 =	vor.u32 $0x8, v2;
	v1 =	vmul.u32 $0x8, v1;
	s13 =	sadd.s32 s4, s2;
	s2 =	simm.s32 $0xFA00;
	s4 =	simm.s32 $0x1  }
.LBB2_4:
0x16: {  	s18 =	rddreg [dreg:$0x6]  }
0x17: {  	s16 =	rddreg [dreg:$0x5];
	s18 =	sadd.s32 $0x1, s18  }
0x18: {  	p0 =	sne.s32 s18, s16  }
.Ltmp1:
0x19: {  	_ = 	snop;
	(pc) =	sbr.rel @!p0 .LBB2_5-.Ltmp1, $1  }
0x1a: {  	_ =	sdelay $0x3  }
.LBB2_1:
0x1b: {  	[dreg:$0x6] =	wrdreg s18  }
0x1c: {  	s16 =	rddreg [dreg:$0x4];
	s20 =	simm.s32 $0x80;
	s19 =	simm.s32 $0x200  }
0x1d: {  	[tilespmem:s3], [sflag:$0x3] =	stream.strided.gather [hbm4b:s16+s20], $0x200, s19, s20, $0x38;
	[tilespmem:$0x10200] =	vst v63  }
0x1e: {  	_ =	swait.ge [sflag:s17], $0x200  }
0x1f: {  	[sflag:s17] =	ssyncset.done $0x0  }
0x20: {  	[sflag:s17] =	ssyncadd.s32 $0xFFFFFE00  }
0x21: {  	v3 =	vld [tilespmem:$0x0];
	_ =	sdelay $0x4  }
0x22: {  	v4 =	vshll.u32 v3, $0x4  }
0x23: {  	v3 =	vand.u32 $0x7, v3;
	v4 =	vand.u32 $0xFFFFFF80, v4  }
0x24: {  	v3 =	vor.u32 v3, v4  }
0x25: {  	v4 =	vperm.xlane v3, v0;
	_ =	sdelay $0x1  }
0x26: {  	v4 =	vadd.s32 v1, v4;
	_ =	sdelay $0x4  }
0x27: {  	[tilespmem:s19], [sflag:$0x1] =	stream.indirect_vreg.gather [hbm4b:s1+s3], $0x80, v4, vm0, $0xb8;
	[tilespmem:$0x10200] =	vst v63  }
0x28: {  	s20 =	simm.s32 $0xA00  }
0x29: {  	[tilespmem:s20], [sflag:$0x1] =	stream.indirect_vreg.gather [hbm4b:s5+s3], $0x80, v4, vm0, $0xb8;
	[tilespmem:$0x10200] =	vst v63  }
0x2a: {  	s18 =	simm.s32 $0x1200  }
0x2b: {  	[tilespmem:s18], [sflag:$0x1] =	stream.indirect_vreg.gather [hbm4b:s6+s3], $0x80, v4, vm0, $0xb8;
	[tilespmem:$0x10200] =	vst v63  }
0x2c: {  	s19 =	simm.s32 $0x1A00  }
0x2d: {  	[tilespmem:s19], [sflag:$0x1] =	stream.indirect_vreg.gather [hbm4b:s7+s3], $0x80, v4, vm0, $0xb8;
	[tilespmem:$0x10200] =	vst v63  }
0x2e: {  	s20 =	simm.s32 $0x2200  }
0x2f: {  	[tilespmem:s20], [sflag:$0x1] =	stream.indirect_vreg.gather [hbm4b:s8+s3], $0x80, v4, vm0, $0xb8;
	[tilespmem:$0x10200] =	vst v63  }
0x30: {  	v3 =	vperm.xlane v3, v2;
	s18 =	simm.s32 $0x2A00  }
0x31: {  	[tilespmem:s18], [sflag:$0x1] =	stream.indirect_vreg.gather [hbm4b:s9+s3], $0x80, v4, vm0, $0xb8;
	[tilespmem:$0x10200] =	vst v63  }
0x32: {  	v3 =	vadd.s32 v1, v3;
	s19 =	simm.s32 $0x3200  }
0x33: {  	[tilespmem:s19], [sflag:$0x1] =	stream.indirect_vreg.gather [hbm4b:s10+s3], $0x80, v4, vm0, $0xb8;
	[tilespmem:$0x10200] =	vst v63  }
0x34: {  	s20 =	simm.s32 $0x3A00  }
0x35: {  	[tilespmem:s20], [sflag:$0x1] =	stream.indirect_vreg.gather [hbm4b:s11+s3], $0x80, v4, vm0, $0xb8;
	[tilespmem:$0x10200] =	vst v63  }
0x36: {  	s18 =	simm.s32 $0x4200  }
0x37: {  	[tilespmem:s18], [sflag:$0x1] =	stream.indirect_vreg.gather [hbm4b:s1+s3], $0x80, v3, vm0, $0xb8;
	[tilespmem:$0x10200] =	vst v63  }
0x38: {  	s19 =	simm.s32 $0x4A00  }
0x39: {  	[tilespmem:s19], [sflag:$0x1] =	stream.indirect_vreg.gather [hbm4b:s5+s3], $0x80, v3, vm0, $0xb8;
	[tilespmem:$0x10200] =	vst v63  }
0x3a: {  	s20 =	simm.s32 $0x5200  }
0x3b: {  	[tilespmem:s20], [sflag:$0x1] =	stream.indirect_vreg.gather [hbm4b:s6+s3], $0x80, v3, vm0, $0xb8;
	[tilespmem:$0x10200] =	vst v63  }
0x3c: {  	s18 =	simm.s32 $0x5A00  }
0x3d: {  	[tilespmem:s18], [sflag:$0x1] =	stream.indirect_vreg.gather [hbm4b:s7+s3], $0x80, v3, vm0, $0xb8;
	[tilespmem:$0x10200] =	vst v63  }
0x3e: {  	s19 =	simm.s32 $0x6200  }
0x3f: {  	[tilespmem:s19], [sflag:$0x1] =	stream.indirect_vreg.gather [hbm4b:s8+s3], $0x80, v3, vm0, $0xb8;
	[tilespmem:$0x10200] =	vst v63  }
0x40: {  	s20 =	simm.s32 $0x6A00  }
0x41: {  	[tilespmem:s20], [sflag:$0x1] =	stream.indirect_vreg.gather [hbm4b:s9+s3], $0x80, v3, vm0, $0xb8;
	[tilespmem:$0x10200] =	vst v63  }
0x42: {  	s18 =	simm.s32 $0x7200  }
0x43: {  	[tilespmem:s18], [sflag:$0x1] =	stream.indirect_vreg.gather [hbm4b:s10+s3], $0x80, v3, vm0, $0xb8;
	[tilespmem:$0x10200] =	vst v63  }
0x44: {  	s19 =	simm.s32 $0x7A00  }
0x45: {  	[tilespmem:s19], [sflag:$0x1] =	stream.indirect_vreg.gather [hbm4b:s11+s3], $0x80, v3, vm0, $0xb8;
	[tilespmem:$0x10200] =	vst v63  }
0x46: {  	v3 =	vld [tilespmem:$0x10];
	_ =	sdelay $0x4  }
0x47: {  	v63 =	vshll.u32 v3, $0x4  }
0x48: {  	v3 =	vand.u32 $0x7, v3;
	v4 =	vand.u32 $0xFFFFFF80, v63  }
0x49: {  	v3 =	vor.u32 v3, v4  }
0x4a: {  	v4 =	vperm.xlane v3, v0;
	_ =	sdelay $0x1  }
0x4b: {  	v4 =	vadd.s32 v1, v4;
	_ =	sdelay $0x4  }
0x4c: {  	[tilespmem:s15], [sflag:$0x2] =	stream.indirect_vreg.gather [hbm4b:s1+s3], $0x80, v4, vm0, $0xb8;
	[tilespmem:$0x10200] =	vst v63  }
0x4d: {  	s20 =	simm.s32 $0x8A00  }
0x4e: {  	[tilespmem:s20], [sflag:$0x2] =	stream.indirect_vreg.gather [hbm4b:s5+s3], $0x80, v4, vm0, $0xb8;
	[tilespmem:$0x10200] =	vst v63  }
0x4f: {  	s18 =	simm.s32 $0x9200  }
0x50: {  	[tilespmem:s18], [sflag:$0x2] =	stream.indirect_vreg.gather [hbm4b:s6+s3], $0x80, v4, vm0, $0xb8;
	[tilespmem:$0x10200] =	vst v63  }
0x51: {  	s19 =	simm.s32 $0x9A00  }
0x52: {  	[tilespmem:s19], [sflag:$0x2] =	stream.indirect_vreg.gather [hbm4b:s7+s3], $0x80, v4, vm0, $0xb8;
	[tilespmem:$0x10200] =	vst v63  }
0x53: {  	s20 =	simm.s32 $0xA200  }
0x54: {  	[tilespmem:s20], [sflag:$0x2] =	stream.indirect_vreg.gather [hbm4b:s8+s3], $0x80, v4, vm0, $0xb8;
	[tilespmem:$0x10200] =	vst v63  }
0x55: {  	v3 =	vperm.xlane v3, v2  }
0x56: {  	[tilespmem:s22], [sflag:$0x2] =	stream.indirect_vreg.gather [hbm4b:s9+s3], $0x80, v4, vm0, $0xb8;
	[tilespmem:$0x10200] =	vst v63  }
0x57: {  	v3 =	vadd.s32 v1, v3  }
0x58: {  	[tilespmem:s23], [sflag:$0x2] =	stream.indirect_vreg.gather [hbm4b:s10+s3], $0x80, v4, vm0, $0xb8;
	[tilespmem:$0x10200] =	vst v63  }
0x59: {  	_ = 	snop  }
0x5a: {  	[tilespmem:s24], [sflag:$0x2] =	stream.indirect_vreg.gather [hbm4b:s11+s3], $0x80, v4, vm0, $0xb8;
	[tilespmem:$0x10200] =	vst v63  }
0x5b: {  	_ = 	snop  }
0x5c: {  	[tilespmem:s25], [sflag:$0x2] =	stream.indirect_vreg.gather [hbm4b:s1+s3], $0x80, v3, vm0, $0xb8;
	[tilespmem:$0x10200] =	vst v63  }
0x5d: {  	_ = 	snop  }
0x5e: {  	[tilespmem:s26], [sflag:$0x2] =	stream.indirect_vreg.gather [hbm4b:s5+s3], $0x80, v3, vm0, $0xb8;
	[tilespmem:$0x10200] =	vst v63  }
0x5f: {  	_ = 	snop  }
0x60: {  	[tilespmem:s28], [sflag:$0x2] =	stream.indirect_vreg.gather [hbm4b:s6+s3], $0x80, v3, vm0, $0xb8;
	[tilespmem:$0x10200] =	vst v63  }
0x61: {  	_ = 	snop  }
0x62: {  	[tilespmem:s29], [sflag:$0x2] =	stream.indirect_vreg.gather [hbm4b:s7+s3], $0x80, v3, vm0, $0xb8;
	[tilespmem:$0x10200] =	vst v63  }
0x63: {  	_ = 	snop  }
0x64: {  	[tilespmem:s30], [sflag:$0x2] =	stream.indirect_vreg.gather [hbm4b:s8+s3], $0x80, v3, vm0, $0xb8;
	[tilespmem:$0x10200] =	vst v63  }
0x65: {  	_ = 	snop  }
0x66: {  	[tilespmem:s31], [sflag:$0x2] =	stream.indirect_vreg.gather [hbm4b:s9+s3], $0x80, v3, vm0, $0xb8;
	[tilespmem:$0x10200] =	vst v63  }
0x67: {  	_ = 	snop  }
0x68: {  	[tilespmem:s0], [sflag:$0x2] =	stream.indirect_vreg.gather [hbm4b:s10+s3], $0x80, v3, vm0, $0xb8;
	[tilespmem:$0x10200] =	vst v63  }
0x69: {  	s16 =	simm.s32 $0x30;
	s18 =	simm.s32 $0x0  }
0x6a: {  	[tilespmem:s2], [sflag:$0x2] =	stream.indirect_vreg.gather [hbm4b:s11+s3], $0x80, v3, vm0, $0xb8;
	[tilespmem:$0x10200] =	vst v63  }
.LBB2_2:
0x6b: {  	_ =	swait.ge [sflag:s4], $0x8000  }
0x6c: {  	[sflag:s4] =	ssyncset.done $0x0  }
0x6d: {  	s19 =	sadd.s32 s18, s14;
	[sflag:s4] =	ssyncadd.s32 $0xFFFF8000  }
0x6e: {  	[hbm4b:s19+s3] =	stream.linear.scatter [tilespmem:s21], [sflag:$0x3], $0x8000, $0x38;
	[tilespmem:$0x10200] =	vst v63  }
0x6f: {  	_ =	swait.ge [sflag:s17], $0x8000  }
0x70: {  	[sflag:s17] =	ssyncset.done $0x0  }
0x71: {  	p0 =	seq.s32 s18, $0x1E000;
	[sflag:s17] =	ssyncadd.s32 $0xFFFF8000  }
0x72: {  	v3 =	vld @!p0 [tilespmem:s16+$0xFFFFFFF0];
	_ =	sdelay $0x4  }
0x73: {  	v4 =	vshll.u32 @!p0 v3, $0x4  }
0x74: {  	v5 =	vlaneseq.u32 @!p0;
	v3 =	vand.u32 @!p0 $0x7, v3;
	v4 =	vand.u32 @!p0 $0xFFFFFF80, v4  }
0x75: {  	v6 =	vshrl.u32 @!p0 v5, $0x3;
	v3 =	vor.u32 @!p0 v3, v4;
	v4 =	vand.u32 @!p0 $0x7, v5  }
0x76: {  	v6 =	vmul.u32 @!p0 $0x8, v6;
	v4 =	vperm.xlane @!p0 v3, v4;
	_ =	sdelay $0x1  }
0x77: {  	v4 =	vadd.s32 @!p0 v6, v4;
	_ =	sdelay $0x3  }
0x78: {  	vm1 =	vmmov @!p0 $0xffff;
	s20 =	simm.s32 @!p0 $0x200;
	s19 =	simm.s32 @!p0 $0x0  }
0x79: {  	[tilespmem:s20], [sflag:$0x1] =	stream.indirect_vreg.gather @!p0 [hbm4b:s1+s19], $0x80, v4, vm1, $0xb8;
	[tilespmem:$0x10200] =	vst v63  }
0x7a: {  	s20 =	simm.s32 @!p0 $0xA00  }
0x7b: {  	[tilespmem:s20], [sflag:$0x1] =	stream.indirect_vreg.gather @!p0 [hbm4b:s5+s19], $0x80, v4, vm1, $0xb8;
	[tilespmem:$0x10200] =	vst v63  }
0x7c: {  	s20 =	simm.s32 @!p0 $0x1200  }
0x7d: {  	[tilespmem:s20], [sflag:$0x1] =	stream.indirect_vreg.gather @!p0 [hbm4b:s6+s19], $0x80, v4, vm1, $0xb8;
	[tilespmem:$0x10200] =	vst v63  }
0x7e: {  	s20 =	simm.s32 @!p0 $0x1A00  }
0x7f: {  	[tilespmem:s20], [sflag:$0x1] =	stream.indirect_vreg.gather @!p0 [hbm4b:s7+s19], $0x80, v4, vm1, $0xb8;
	[tilespmem:$0x10200] =	vst v63  }
0x80: {  	s20 =	simm.s32 @!p0 $0x2200  }
0x81: {  	v5 =	vor.u32 @!p0 $0x8, v5;
	[tilespmem:s20], [sflag:$0x1] =	stream.indirect_vreg.gather @!p0 [hbm4b:s8+s19], $0x80, v4, vm1, $0xb8;
	[tilespmem:$0x10200] =	vst v63  }
0x82: {  	v3 =	vperm.xlane @!p0 v3, v5;
	s20 =	simm.s32 @!p0 $0x2A00  }
0x83: {  	[tilespmem:s20], [sflag:$0x1] =	stream.indirect_vreg.gather @!p0 [hbm4b:s9+s19], $0x80, v4, vm1, $0xb8;
	[tilespmem:$0x10200] =	vst v63  }
0x84: {  	v3 =	vadd.s32 @!p0 v6, v3;
	s20 =	simm.s32 @!p0 $0x3200  }
0x85: {  	[tilespmem:s20], [sflag:$0x1] =	stream.indirect_vreg.gather @!p0 [hbm4b:s10+s19], $0x80, v4, vm1, $0xb8;
	[tilespmem:$0x10200] =	vst v63  }
0x86: {  	s20 =	simm.s32 @!p0 $0x3A00  }
0x87: {  	[tilespmem:s20], [sflag:$0x1] =	stream.indirect_vreg.gather @!p0 [hbm4b:s11+s19], $0x80, v4, vm1, $0xb8;
	[tilespmem:$0x10200] =	vst v63  }
0x88: {  	s20 =	simm.s32 @!p0 $0x4200  }
0x89: {  	[tilespmem:s20], [sflag:$0x1] =	stream.indirect_vreg.gather @!p0 [hbm4b:s1+s19], $0x80, v3, vm1, $0xb8;
	[tilespmem:$0x10200] =	vst v63  }
0x8a: {  	s20 =	simm.s32 @!p0 $0x4A00  }
0x8b: {  	[tilespmem:s20], [sflag:$0x1] =	stream.indirect_vreg.gather @!p0 [hbm4b:s5+s19], $0x80, v3, vm1, $0xb8;
	[tilespmem:$0x10200] =	vst v63  }
0x8c: {  	s20 =	simm.s32 @!p0 $0x5200  }
0x8d: {  	[tilespmem:s20], [sflag:$0x1] =	stream.indirect_vreg.gather @!p0 [hbm4b:s6+s19], $0x80, v3, vm1, $0xb8;
	[tilespmem:$0x10200] =	vst v63  }
0x8e: {  	s20 =	simm.s32 @!p0 $0x5A00  }
0x8f: {  	[tilespmem:s20], [sflag:$0x1] =	stream.indirect_vreg.gather @!p0 [hbm4b:s7+s19], $0x80, v3, vm1, $0xb8;
	[tilespmem:$0x10200] =	vst v63  }
0x90: {  	s20 =	simm.s32 @!p0 $0x6200  }
0x91: {  	[tilespmem:s20], [sflag:$0x1] =	stream.indirect_vreg.gather @!p0 [hbm4b:s8+s19], $0x80, v3, vm1, $0xb8;
	[tilespmem:$0x10200] =	vst v63  }
0x92: {  	s20 =	simm.s32 @!p0 $0x6A00  }
0x93: {  	[tilespmem:s20], [sflag:$0x1] =	stream.indirect_vreg.gather @!p0 [hbm4b:s9+s19], $0x80, v3, vm1, $0xb8;
	[tilespmem:$0x10200] =	vst v63  }
0x94: {  	s20 =	simm.s32 @!p0 $0x7200  }
0x95: {  	[tilespmem:s20], [sflag:$0x1] =	stream.indirect_vreg.gather @!p0 [hbm4b:s10+s19], $0x80, v3, vm1, $0xb8;
	[tilespmem:$0x10200] =	vst v63  }
0x96: {  	s20 =	simm.s32 @!p0 $0x7A00  }
0x97: {  	[tilespmem:s20], [sflag:$0x1] =	stream.indirect_vreg.gather @!p0 [hbm4b:s11+s19], $0x80, v3, vm1, $0xb8;
	[tilespmem:$0x10200] =	vst v63  }
0x98: {  	_ =	swait.ge [sflag:s12], $0x8000  }
0x99: {  	[sflag:s12] =	ssyncset.done $0x0  }
.Ltmp2:
0x9a: {  	s20 =	sadd.s32 s18, s13;
	[sflag:s12] =	ssyncadd.s32 $0xFFFF8000;
	(pc) =	sbr.rel @p0 .LBB2_4-.Ltmp2, $4  }
0x9b: {  	[hbm4b:s20+s3] =	stream.linear.scatter [tilespmem:s15], [sflag:$0x3], $0x8000, $0x38;
	[tilespmem:$0x10200] =	vst v63  }
0x9c: {  	_ =	swait.ge [sflag:s17], $0x8000  }
0x9d: {  	[sflag:s17] =	ssyncset.done $0x0  }
0x9e: {  	[sflag:s17] =	ssyncadd.s32 $0xFFFF8000  }
0x9f: {  	v3 =	vld [tilespmem:s16+$0x0];
	_ =	sdelay $0x4  }
0xa0: {  	v4 =	vshll.u32 v3, $0x4  }
0xa1: {  	v3 =	vand.u32 $0x7, v3;
	v4 =	vand.u32 $0xFFFFFF80, v4  }
0xa2: {  	v3 =	vor.u32 v3, v4  }
0xa3: {  	v4 =	vperm.xlane v3, v0;
	_ =	sdelay $0x1  }
0xa4: {  	v4 =	vadd.s32 v1, v4;
	_ =	sdelay $0x4  }
0xa5: {  	[tilespmem:s15], [sflag:$0x2] =	stream.indirect_vreg.gather [hbm4b:s1+s3], $0x80, v4, vm0, $0xb8;
	[tilespmem:$0x10200] =	vst v63  }
0xa6: {  	s19 =	simm.s32 $0x8A00  }
0xa7: {  	[tilespmem:s19], [sflag:$0x2] =	stream.indirect_vreg.gather [hbm4b:s5+s3], $0x80, v4, vm0, $0xb8;
	[tilespmem:$0x10200] =	vst v63  }
0xa8: {  	s20 =	simm.s32 $0x9200  }
0xa9: {  	[tilespmem:s20], [sflag:$0x2] =	stream.indirect_vreg.gather [hbm4b:s6+s3], $0x80, v4, vm0, $0xb8;
	[tilespmem:$0x10200] =	vst v63  }
0xaa: {  	s20 =	simm.s32 $0x9A00  }
0xab: {  	[tilespmem:s20], [sflag:$0x2] =	stream.indirect_vreg.gather [hbm4b:s7+s3], $0x80, v4, vm0, $0xb8;
	[tilespmem:$0x10200] =	vst v63  }
0xac: {  	s20 =	simm.s32 $0xA200  }
0xad: {  	[tilespmem:s20], [sflag:$0x2] =	stream.indirect_vreg.gather [hbm4b:s8+s3], $0x80, v4, vm0, $0xb8;
	[tilespmem:$0x10200] =	vst v63  }
0xae: {  	v3 =	vperm.xlane v3, v2  }
0xaf: {  	[tilespmem:s22], [sflag:$0x2] =	stream.indirect_vreg.gather [hbm4b:s9+s3], $0x80, v4, vm0, $0xb8;
	[tilespmem:$0x10200] =	vst v63  }
0xb0: {  	v3 =	vadd.s32 v1, v3  }
0xb1: {  	[tilespmem:s23], [sflag:$0x2] =	stream.indirect_vreg.gather [hbm4b:s10+s3], $0x80, v4, vm0, $0xb8;
	[tilespmem:$0x10200] =	vst v63  }
0xb2: {  	_ = 	snop  }
0xb3: {  	[tilespmem:s24], [sflag:$0x2] =	stream.indirect_vreg.gather [hbm4b:s11+s3], $0x80, v4, vm0, $0xb8;
	[tilespmem:$0x10200] =	vst v63  }
0xb4: {  	_ = 	snop  }
0xb5: {  	[tilespmem:s25], [sflag:$0x2] =	stream.indirect_vreg.gather [hbm4b:s1+s3], $0x80, v3, vm0, $0xb8;
	[tilespmem:$0x10200] =	vst v63  }
0xb6: {  	_ = 	snop  }
0xb7: {  	[tilespmem:s26], [sflag:$0x2] =	stream.indirect_vreg.gather [hbm4b:s5+s3], $0x80, v3, vm0, $0xb8;
	[tilespmem:$0x10200] =	vst v63  }
0xb8: {  	_ = 	snop  }
0xb9: {  	[tilespmem:s28], [sflag:$0x2] =	stream.indirect_vreg.gather [hbm4b:s6+s3], $0x80, v3, vm0, $0xb8;
	[tilespmem:$0x10200] =	vst v63  }
0xba: {  	_ = 	snop  }
0xbb: {  	[tilespmem:s29], [sflag:$0x2] =	stream.indirect_vreg.gather [hbm4b:s7+s3], $0x80, v3, vm0, $0xb8;
	[tilespmem:$0x10200] =	vst v63  }
0xbc: {  	_ = 	snop  }
0xbd: {  	[tilespmem:s30], [sflag:$0x2] =	stream.indirect_vreg.gather [hbm4b:s8+s3], $0x80, v3, vm0, $0xb8;
	[tilespmem:$0x10200] =	vst v63  }
0xbe: {  	_ = 	snop  }
0xbf: {  	[tilespmem:s31], [sflag:$0x2] =	stream.indirect_vreg.gather [hbm4b:s9+s3], $0x80, v3, vm0, $0xb8;
	[tilespmem:$0x10200] =	vst v63  }
.Ltmp3:
0xc0: {  	_ = 	snop;
	(pc) =	sbr.rel .LBB2_2-.Ltmp3, $4  }
0xc1: {  	_ = 	snop  }
0xc2: {  	[tilespmem:s0], [sflag:$0x2] =	stream.indirect_vreg.gather [hbm4b:s10+s3], $0x80, v3, vm0, $0xb8;
	[tilespmem:$0x10200] =	vst v63  }
0xc3: {  	s18 =	sadd.s32 $0x2000, s18;
	s16 =	sadd.s32 $0x20, s16  }
0xc4: {  	[tilespmem:s2], [sflag:$0x2] =	stream.indirect_vreg.gather [hbm4b:s11+s3], $0x80, v3, vm0, $0xb8;
	[tilespmem:$0x10200] =	vst v63  }
.LBB2_5:
0xc5: {  	_ =	sfence.sel $0x180000  }
0xc6: {  	[bflag:$0x0] =	sbarrier.arrive $0xFFFF  }
0xc7: {  	_ =	strace $0x90000047  }
0xc8: {  	s0 =	stileid.u32;
	[bflag:$0x2] =	sbarrier.arrive $0xFFFF  }
0xc9: {  	p0 =	sne.s32 s0, $0x0;
	s0 =	rddreg [dreg:$0x3]  }
0xca: {  	s0 =	sadd.s32 @!p0 $0x100000, s0  }
0xcb: {  	[sflag:s0] =	ssyncadd.tile.s32 @!p0 $0x1;
	_ =	shalt  }
.Lfunc_end2:
_tile_overlayer_lowered:
.L_overlay_start_2:
0xcc: {  	(tag) =	ssettag $0x2  }
0xcd: {  	s0 =	rddreg [dreg:$0x0];
	s2 =	stileid.u32  }
0xce: {  	s1 =	rddreg [dreg:$0x1];
	p0 =	sne.s32 s2, $0x0  }
0xcf: {  	s3 =	rddreg [dreg:$0x2];
	[bflag:$0x3] =	sbarrier.arrive $0xFFFF;
	s2 =	simm.s32 @!p0 $0x1C03  }
0xd0: {  	[timem:s3], [sflag:s2] =	dma.local @!p0 [hbm:s0], s1  }
0xd1: {  	s0 =	simm.s32 @!p0 $0x3  }
0xd2: {  	_ =	swait.ge @!p0 [sflag:s0], s1  }
0xd3: {  	s1 =	ssub.s32 @!p0 $0x0, s1;
	[sflag:s0] =	ssyncset.done @!p0 $0x0  }
0xd4: {  	[sflag:s0] =	ssyncadd.s32 @!p0 s1  }
0xd5: {  	[bflag:$0x3] =	sbarrier.arrive $0xFFFF  }
0xd6: {  	_ =	shalt  }

</sc_bundles>
